<compile_context>
chip_gen: v7x
topology: tpu7x:2x2x1
jax: 0.10.2.dev20260603
libtpu: 0.0.44.dev20260713+nightly
codegen_flags: <defaults>
</compile_context>

<pallas_src>
import functools

import jax
import jax.numpy as jnp
from jax import lax
from jax.experimental import pallas as pl
from jax.experimental.pallas import tpu as pltpu
from jax.experimental.pallas import tpu_sc as plsc

_NUM_GROUPS = 2
_NUM_VARS = 320
_TOKENS = 2048
_HIDDEN = 768
_CV_DIM = 128
_ROWS = _TOKENS * _NUM_GROUPS

_NC = 1
_NS = 16
_NW = _NC * _NS
_RPW = _ROWS // _NW


def _proj_argmax_body(x_ref, w_ref, b_ref, idx_ref, perp_ref):
    xp = jnp.dot(x_ref[...], w_ref[...], preferred_element_type=jnp.float32)
    xp = xp + b_ref[...].reshape(1, _NUM_GROUPS * _NUM_VARS)
    iota = lax.broadcasted_iota(jnp.int32, (_TOKENS, _NUM_VARS), 1)
    idx_parts = []
    ent_parts = []
    for g in range(_NUM_GROUPS):
        xg = xp[:, g * _NUM_VARS:(g + 1) * _NUM_VARS]
        m = jnp.max(xg, axis=1, keepdims=True)
        cand = jnp.where(xg == m, iota, _NUM_VARS)
        idx_g = jnp.min(cand, axis=1, keepdims=True)
        onehot = (iota == idx_g).astype(jnp.float32)
        marg = jnp.sum(onehot, axis=0, keepdims=True) * (1.0 / _TOKENS)
        ent_parts.append(jnp.sum(marg * jnp.log(marg + 1e-7)))
        idx_parts.append(idx_g + g * _NUM_VARS)
    idx_ref[...] = jnp.concatenate(idx_parts, axis=1)
    perp_ref[...] = (jnp.exp(-ent_parts[0]) + jnp.exp(-ent_parts[1])).reshape(1, 1)


_proj_argmax = pl.pallas_call(
    _proj_argmax_body,
    in_specs=[
        pl.BlockSpec(memory_space=pltpu.VMEM),
        pl.BlockSpec(memory_space=pltpu.VMEM),
        pl.BlockSpec(memory_space=pltpu.VMEM),
    ],
    out_specs=[
        pl.BlockSpec(memory_space=pltpu.VMEM),
        pl.BlockSpec(memory_space=pltpu.VMEM),
    ],
    out_shape=[
        jax.ShapeDtypeStruct((_TOKENS, _NUM_GROUPS), jnp.int32),
        jax.ShapeDtypeStruct((1, 1), jnp.float32),
    ],
)


@functools.cache
def _make_sc_gather():
    @functools.partial(
        pl.kernel,
        out_type=jax.ShapeDtypeStruct((_ROWS, _CV_DIM), jnp.float32),
        mesh=plsc.VectorSubcoreMesh(core_axis_name="c", subcore_axis_name="s", num_cores=1),
        scratch_types=[
            pltpu.VMEM((_RPW,), jnp.int32),
            pltpu.VMEM((_RPW // 4, _CV_DIM), jnp.float32),
            pltpu.VMEM((_RPW // 4, _CV_DIM), jnp.float32),
            pltpu.VMEM((_RPW // 4, _CV_DIM), jnp.float32),
            pltpu.VMEM((_RPW // 4, _CV_DIM), jnp.float32),
            pltpu.SemaphoreType.DMA,
            pltpu.SemaphoreType.DMA,
            pltpu.SemaphoreType.DMA,
            pltpu.SemaphoreType.DMA,
            pltpu.SemaphoreType.DMA,
        ],
    )
    def _sc_gather(idx_hbm, table_hbm, out_hbm, idx_v,
                   r0, r1, r2, r3, s0, s1, s2, s3, sout):
        wid = lax.axis_index("s") * _NC + lax.axis_index("c")
        base = wid * _RPW
        q = _RPW // 4
        rows = (r0, r1, r2, r3)
        sems = (s0, s1, s2, s3)
        pltpu.sync_copy(idx_hbm.at[pl.ds(base, _RPW)], idx_v)
        gathers = [
            pltpu.async_copy(table_hbm.at[idx_v.at[pl.ds(k * q, q)]],
                             rows[k], sems[k])
            for k in range(4)
        ]
        writes = []
        for k in range(4):
            gathers[k].wait()
            writes.append(pltpu.async_copy(
                rows[k], out_hbm.at[pl.ds(base + k * q, q)], sout))
        for w in writes:
            w.wait()

    return _sc_gather


def kernel(x, W, b, codevectors):
    B, S, H = x.shape
    x2d = x.reshape(B * S, H)
    idx, perp = _proj_argmax(x2d, W, b)
    idx_flat = idx.reshape(_ROWS)
    table = codevectors.reshape(_NUM_GROUPS * _NUM_VARS, _CV_DIM)
    rows = _make_sc_gather()(idx_flat, table)
    cv = rows.reshape(B, S, _NUM_GROUPS * _CV_DIM)
    return cv, perp[0, 0]

# --- scband reference (transcript-rebuilt; emitter-appended) ---
"""Pipeline reference for scband-gumbelq-69114613727242 (READ-ONLY COPY).

The authoritative reference and input builder live on the scoring server;
editing this copy changes nothing except your own understanding.
"""

import jax, jax.numpy as jnp
import numpy as np

NUM_GROUPS = 2
NUM_VARS = 320
CODEVECTOR_DIM = 256

def setup_inputs(seed: int = 0):
    key = jax.random.key(seed)
    k1, k2, k3 = jax.random.split(key, 3)
    x = jax.random.normal(k1, (1, 2048, 768), dtype=jnp.float32)
    W = jax.random.normal(k2, (768, NUM_GROUPS * NUM_VARS), dtype=jnp.float32) * 0.02
    b = jnp.zeros((NUM_GROUPS * NUM_VARS,), dtype=jnp.float32)
    codevectors = jax.random.normal(k3, (1, NUM_GROUPS * NUM_VARS, CODEVECTOR_DIM // NUM_GROUPS), dtype=jnp.float32)
    return {"x": x, "W": W, "b": b, "codevectors": codevectors}

def compute_perplexity(probs):
    # mask_time_indices is None in the non-tuple input path
    marg_probs = jnp.mean(probs, axis=0)
    perp = jnp.exp(-jnp.sum(marg_probs * jnp.log(marg_probs + 1e-07), axis=-1))
    return jnp.sum(perp)

def reference(x, W, b, codevectors):
    # eval path (training=None -> falsy): hard argmax + one-hot selection
    B, S, H = x.shape
    xp = jnp.dot(x, W) + b  # weight_proj Dense: [B, S, num_groups*num_vars]
    xr = jnp.reshape(xp, (B * S * NUM_GROUPS, -1))  # [B*S*G, num_vars]
    codevector_idx = jnp.argmax(xr, axis=-1)
    codevector_probs = jax.nn.one_hot(codevector_idx, xr.shape[-1], dtype=jnp.float32)
    probs3 = jnp.reshape(codevector_probs, (B * S, NUM_GROUPS, -1))
    perp = compute_perplexity(probs3)
    cp = jnp.reshape(probs3, (B * S, -1))  # [B*S, G*num_vars]
    codevectors_per_group = cp[:, :, None] * codevectors  # [B*S, G*num_vars, d/G]
    cv = jnp.reshape(codevectors_per_group, (B * S, NUM_GROUPS, NUM_VARS, -1))
    cv = jnp.sum(cv, axis=-2)  # [B*S, G, d/G]
    cv = jnp.reshape(cv, (B, S, -1))  # [B, S, codevector_dim]
    return (cv, perp)

if __name__ == "__main__":
    import jax
    _d = setup_inputs()
    print(jax.jit(kernel)(*tuple(_d.values())))

</pallas_src>

<mosaic_0001>
#map = affine_map<(d0, d1) -> (0)>
#map1 = affine_map<(d0, d1) -> (0, 0)>
module attributes {stable_mosaic.version = 14 : i64} {
  func.func @_sc_gather(%arg0: i32, %arg1: i32, %arg2: memref<4096xi32, #tpu.memory_space<hbm>>, %arg3: memref<640x128xf32, #tpu.memory_space<hbm>>, %arg4: memref<4096x128xf32, #tpu.memory_space<hbm>>, %arg5: memref<256xi32, #tpu.memory_space<vmem>>, %arg6: memref<64x128xf32, #tpu.memory_space<vmem>>, %arg7: memref<64x128xf32, #tpu.memory_space<vmem>>, %arg8: memref<64x128xf32, #tpu.memory_space<vmem>>, %arg9: memref<64x128xf32, #tpu.memory_space<vmem>>, %arg10: memref<!tpu.dma_semaphore, #tpu.memory_space<semaphore_mem>>, %arg11: memref<!tpu.dma_semaphore, #tpu.memory_space<semaphore_mem>>, %arg12: memref<!tpu.dma_semaphore, #tpu.memory_space<semaphore_mem>>, %arg13: memref<!tpu.dma_semaphore, #tpu.memory_space<semaphore_mem>>, %arg14: memref<!tpu.dma_semaphore, #tpu.memory_space<semaphore_mem>>) attributes {dimension_semantics = [#tpu.dimension_semantics<core_parallel>, #tpu.dimension_semantics<subcore_parallel>], iteration_bounds = array<i64: 1, 16>, scalar_prefetch = 0 : i64, scratch_operands = 10 : i64, tpu.core_type = #tpu.core_type<sc_vector_subcore>, window_params = [{transform_indices = #map}, {transform_indices = #map1}, {transform_indices = #map1}]} {
    %mul3A = arith.constant 1 : i32
    %mul3A_0 = arith.muli %arg1, %mul3A : i32
    %add3A = arith.addi %mul3A_0, %arg0 : i32
    %mul3A_1 = arith.constant 256 : i32
    %mul3A_2 = arith.muli %add3A, %mul3A_1 : i32
    "tpu.region"() ({
      %run_scoped3A = tpu.sem_alloc : memref<!tpu.dma_semaphore, #tpu.memory_space<semaphore_mem>>
      %dma_start3A_81 = tpu.memref_slice %arg2[%mul3A_2] : memref<4096xi32, #tpu.memory_space<hbm>> -> memref<256xi32, #tpu.memory_space<hbm>>
      %dma_start3A_82 = tpu.memref_slice %arg2[%mul3A_2] : memref<4096xi32, #tpu.memory_space<hbm>> -> memref<256xi32, #tpu.memory_space<hbm>>
      tpu.enqueue_dma source(%dma_start3A_82 : memref<256xi32, #tpu.memory_space<hbm>>) target(%arg5 : memref<256xi32, #tpu.memory_space<vmem>>) target_semaphore(%run_scoped3A : memref<!tpu.dma_semaphore, #tpu.memory_space<semaphore_mem>>)
      %dma_wait3A_83 = tpu.memref_slice %arg2[%mul3A_2] : memref<4096xi32, #tpu.memory_space<hbm>> -> memref<256xi32, #tpu.memory_space<hbm>>
      %dma_wait3A_84 = tpu.memref_slice %arg2[%mul3A_2] : memref<4096xi32, #tpu.memory_space<hbm>> -> memref<256xi32, #tpu.memory_space<hbm>>
      tpu.wait_dma2 semaphore(%run_scoped3A : memref<!tpu.dma_semaphore, #tpu.memory_space<semaphore_mem>>) src(%dma_wait3A_84 : memref<256xi32, #tpu.memory_space<hbm>>) dst(%arg5 : memref<256xi32, #tpu.memory_space<vmem>>)
      tpu.yield
    }) : () -> ()
    %dma_start3A = arith.constant 0 : i32
    %dma_start3A_3 = tpu.memref_slice %arg5[%dma_start3A] : memref<256xi32, #tpu.memory_space<vmem>> -> memref<64xi32, #tpu.memory_space<vmem>>
    %dma_start3A_4 = arith.constant 0 : i32
    %dma_start3A_5 = arith.constant 0 : i32
    %dma_start3A_6 = tpu.memref_slice %arg3[%dma_start3A_4, %dma_start3A_5] : memref<640x128xf32, #tpu.memory_space<hbm>> -> memref<640x128xf32, #tpu.memory_space<hbm>>
    tpu.enqueue_indirect_dma source(%dma_start3A_6 : memref<640x128xf32, #tpu.memory_space<hbm>>) target(%arg6 : memref<64x128xf32, #tpu.memory_space<vmem>>) offsets(%dma_start3A_3 : memref<64xi32, #tpu.memory_space<vmem>>) semaphore(%arg10 : memref<!tpu.dma_semaphore, #tpu.memory_space<semaphore_mem>>)
    %dma_start3A_7 = arith.constant 64 : i32
    %dma_start3A_8 = tpu.memref_slice %arg5[%dma_start3A_7] : memref<256xi32, #tpu.memory_space<vmem>> -> memref<64xi32, #tpu.memory_space<vmem>>
    %dma_start3A_9 = arith.constant 0 : i32
    %dma_start3A_10 = arith.constant 0 : i32
    %dma_start3A_11 = tpu.memref_slice %arg3[%dma_start3A_9, %dma_start3A_10] : memref<640x128xf32, #tpu.memory_space<hbm>> -> memref<640x128xf32, #tpu.memory_space<hbm>>
    tpu.enqueue_indirect_dma source(%dma_start3A_11 : memref<640x128xf32, #tpu.memory_space<hbm>>) target(%arg7 : memref<64x128xf32, #tpu.memory_space<vmem>>) offsets(%dma_start3A_8 : memref<64xi32, #tpu.memory_space<vmem>>) semaphore(%arg11 : memref<!tpu.dma_semaphore, #tpu.memory_space<semaphore_mem>>)
    %dma_start3A_12 = arith.constant 128 : i32
    %dma_start3A_13 = tpu.memref_slice %arg5[%dma_start3A_12] : memref<256xi32, #tpu.memory_space<vmem>> -> memref<64xi32, #tpu.memory_space<vmem>>
    %dma_start3A_14 = arith.constant 0 : i32
    %dma_start3A_15 = arith.constant 0 : i32
    %dma_start3A_16 = tpu.memref_slice %arg3[%dma_start3A_14, %dma_start3A_15] : memref<640x128xf32, #tpu.memory_space<hbm>> -> memref<640x128xf32, #tpu.memory_space<hbm>>
    tpu.enqueue_indirect_dma source(%dma_start3A_16 : memref<640x128xf32, #tpu.memory_space<hbm>>) target(%arg8 : memref<64x128xf32, #tpu.memory_space<vmem>>) offsets(%dma_start3A_13 : memref<64xi32, #tpu.memory_space<vmem>>) semaphore(%arg12 : memref<!tpu.dma_semaphore, #tpu.memory_space<semaphore_mem>>)
    %dma_start3A_17 = arith.constant 192 : i32
    %dma_start3A_18 = tpu.memref_slice %arg5[%dma_start3A_17] : memref<256xi32, #tpu.memory_space<vmem>> -> memref<64xi32, #tpu.memory_space<vmem>>
    %dma_start3A_19 = arith.constant 0 : i32
    %dma_start3A_20 = arith.constant 0 : i32
    %dma_start3A_21 = tpu.memref_slice %arg3[%dma_start3A_19, %dma_start3A_20] : memref<640x128xf32, #tpu.memory_space<hbm>> -> memref<640x128xf32, #tpu.memory_space<hbm>>
    tpu.enqueue_indirect_dma source(%dma_start3A_21 : memref<640x128xf32, #tpu.memory_space<hbm>>) target(%arg9 : memref<64x128xf32, #tpu.memory_space<vmem>>) offsets(%dma_start3A_18 : memref<64xi32, #tpu.memory_space<vmem>>) semaphore(%arg13 : memref<!tpu.dma_semaphore, #tpu.memory_space<semaphore_mem>>)
    %dma_wait3A = arith.constant 0 : i32
    %dma_wait3A_22 = tpu.memref_slice %arg5[%dma_wait3A] : memref<256xi32, #tpu.memory_space<vmem>> -> memref<64xi32, #tpu.memory_space<vmem>>
    %dma_wait3A_23 = arith.constant 0 : i32
    %dma_wait3A_24 = arith.constant 0 : i32
    %dma_wait3A_25 = tpu.memref_slice %arg3[%dma_wait3A_23, %dma_wait3A_24] : memref<640x128xf32, #tpu.memory_space<hbm>> -> memref<640x128xf32, #tpu.memory_space<hbm>>
    tpu.wait_indirect_dma semaphore(%arg10 : memref<!tpu.dma_semaphore, #tpu.memory_space<semaphore_mem>>) src(%dma_wait3A_25 : memref<640x128xf32, #tpu.memory_space<hbm>>) dst(%arg6 : memref<64x128xf32, #tpu.memory_space<vmem>>)
    %add3A_26 = arith.constant 0 : i32
    %add3A_27 = arith.addi %mul3A_2, %add3A_26 : i32
    %dma_start3A_28 = arith.constant 0 : i32
    %dma_start3A_29 = tpu.memref_slice %arg4[%add3A_27, %dma_start3A_28] : memref<4096x128xf32, #tpu.memory_space<hbm>> -> memref<64x128xf32, #tpu.memory_space<hbm>>
    %dma_start3A_30 = arith.constant 0 : i32
    %dma_start3A_31 = tpu.memref_slice %arg4[%add3A_27, %dma_start3A_30] : memref<4096x128xf32, #tpu.memory_space<hbm>> -> memref<64x128xf32, #tpu.memory_space<hbm>>
    tpu.enqueue_dma source(%arg6 : memref<64x128xf32, #tpu.memory_space<vmem>>) target(%dma_start3A_31 : memref<64x128xf32, #tpu.memory_space<hbm>>) target_semaphore(%arg14 : memref<!tpu.dma_semaphore, #tpu.memory_space<semaphore_mem>>)
    %dma_wait3A_32 = arith.constant 64 : i32
    %dma_wait3A_33 = tpu.memref_slice %arg5[%dma_wait3A_32] : memref<256xi32, #tpu.memory_space<vmem>> -> memref<64xi32, #tpu.memory_space<vmem>>
    %dma_wait3A_34 = arith.constant 0 : i32
    %dma_wait3A_35 = arith.constant 0 : i32
    %dma_wait3A_36 = tpu.memref_slice %arg3[%dma_wait3A_34, %dma_wait3A_35] : memref<640x128xf32, #tpu.memory_space<hbm>> -> memref<640x128xf32, #tpu.memory_space<hbm>>
    tpu.wait_indirect_dma semaphore(%arg11 : memref<!tpu.dma_semaphore, #tpu.memory_space<semaphore_mem>>) src(%dma_wait3A_36 : memref<640x128xf32, #tpu.memory_space<hbm>>) dst(%arg7 : memref<64x128xf32, #tpu.memory_space<vmem>>)
    %add3A_37 = arith.constant 64 : i32
    %add3A_38 = arith.addi %mul3A_2, %add3A_37 : i32
    %dma_start3A_39 = arith.constant 0 : i32
    %dma_start3A_40 = tpu.memref_slice %arg4[%add3A_38, %dma_start3A_39] : memref<4096x128xf32, #tpu.memory_space<hbm>> -> memref<64x128xf32, #tpu.memory_space<hbm>>
    %dma_start3A_41 = arith.constant 0 : i32
    %dma_start3A_42 = tpu.memref_slice %arg4[%add3A_38, %dma_start3A_41] : memref<4096x128xf32, #tpu.memory_space<hbm>> -> memref<64x128xf32, #tpu.memory_space<hbm>>
    tpu.enqueue_dma source(%arg7 : memref<64x128xf32, #tpu.memory_space<vmem>>) target(%dma_start3A_42 : memref<64x128xf32, #tpu.memory_space<hbm>>) target_semaphore(%arg14 : memref<!tpu.dma_semaphore, #tpu.memory_space<semaphore_mem>>)
    %dma_wait3A_43 = arith.constant 128 : i32
    %dma_wait3A_44 = tpu.memref_slice %arg5[%dma_wait3A_43] : memref<256xi32, #tpu.memory_space<vmem>> -> memref<64xi32, #tpu.memory_space<vmem>>
    %dma_wait3A_45 = arith.constant 0 : i32
    %dma_wait3A_46 = arith.constant 0 : i32
    %dma_wait3A_47 = tpu.memref_slice %arg3[%dma_wait3A_45, %dma_wait3A_46] : memref<640x128xf32, #tpu.memory_space<hbm>> -> memref<640x128xf32, #tpu.memory_space<hbm>>
    tpu.wait_indirect_dma semaphore(%arg12 : memref<!tpu.dma_semaphore, #tpu.memory_space<semaphore_mem>>) src(%dma_wait3A_47 : memref<640x128xf32, #tpu.memory_space<hbm>>) dst(%arg8 : memref<64x128xf32, #tpu.memory_space<vmem>>)
    %add3A_48 = arith.constant 128 : i32
    %add3A_49 = arith.addi %mul3A_2, %add3A_48 : i32
    %dma_start3A_50 = arith.constant 0 : i32
    %dma_start3A_51 = tpu.memref_slice %arg4[%add3A_49, %dma_start3A_50] : memref<4096x128xf32, #tpu.memory_space<hbm>> -> memref<64x128xf32, #tpu.memory_space<hbm>>
    %dma_start3A_52 = arith.constant 0 : i32
    %dma_start3A_53 = tpu.memref_slice %arg4[%add3A_49, %dma_start3A_52] : memref<4096x128xf32, #tpu.memory_space<hbm>> -> memref<64x128xf32, #tpu.memory_space<hbm>>
    tpu.enqueue_dma source(%arg8 : memref<64x128xf32, #tpu.memory_space<vmem>>) target(%dma_start3A_53 : memref<64x128xf32, #tpu.memory_space<hbm>>) target_semaphore(%arg14 : memref<!tpu.dma_semaphore, #tpu.memory_space<semaphore_mem>>)
    %dma_wait3A_54 = arith.constant 192 : i32
    %dma_wait3A_55 = tpu.memref_slice %arg5[%dma_wait3A_54] : memref<256xi32, #tpu.memory_space<vmem>> -> memref<64xi32, #tpu.memory_space<vmem>>
    %dma_wait3A_56 = arith.constant 0 : i32
    %dma_wait3A_57 = arith.constant 0 : i32
    %dma_wait3A_58 = tpu.memref_slice %arg3[%dma_wait3A_56, %dma_wait3A_57] : memref<640x128xf32, #tpu.memory_space<hbm>> -> memref<640x128xf32, #tpu.memory_space<hbm>>
    tpu.wait_indirect_dma semaphore(%arg13 : memref<!tpu.dma_semaphore, #tpu.memory_space<semaphore_mem>>) src(%dma_wait3A_58 : memref<640x128xf32, #tpu.memory_space<hbm>>) dst(%arg9 : memref<64x128xf32, #tpu.memory_space<vmem>>)
    %add3A_59 = arith.constant 192 : i32
    %add3A_60 = arith.addi %mul3A_2, %add3A_59 : i32
    %dma_start3A_61 = arith.constant 0 : i32
    %dma_start3A_62 = tpu.memref_slice %arg4[%add3A_60, %dma_start3A_61] : memref<4096x128xf32, #tpu.memory_space<hbm>> -> memref<64x128xf32, #tpu.memory_space<hbm>>
    %dma_start3A_63 = arith.constant 0 : i32
    %dma_start3A_64 = tpu.memref_slice %arg4[%add3A_60, %dma_start3A_63] : memref<4096x128xf32, #tpu.memory_space<hbm>> -> memref<64x128xf32, #tpu.memory_space<hbm>>
    tpu.enqueue_dma source(%arg9 : memref<64x128xf32, #tpu.memory_space<vmem>>) target(%dma_start3A_64 : memref<64x128xf32, #tpu.memory_space<hbm>>) target_semaphore(%arg14 : memref<!tpu.dma_semaphore, #tpu.memory_space<semaphore_mem>>)
    %dma_wait3A_65 = arith.constant 0 : i32
    %dma_wait3A_66 = tpu.memref_slice %arg4[%add3A_27, %dma_wait3A_65] : memref<4096x128xf32, #tpu.memory_space<hbm>> -> memref<64x128xf32, #tpu.memory_space<hbm>>
    %dma_wait3A_67 = arith.constant 0 : i32
    %dma_wait3A_68 = tpu.memref_slice %arg4[%add3A_27, %dma_wait3A_67] : memref<4096x128xf32, #tpu.memory_space<hbm>> -> memref<64x128xf32, #tpu.memory_space<hbm>>
    tpu.wait_dma2 semaphore(%arg14 : memref<!tpu.dma_semaphore, #tpu.memory_space<semaphore_mem>>) src(%arg6 : memref<64x128xf32, #tpu.memory_space<vmem>>) dst(%dma_wait3A_68 : memref<64x128xf32, #tpu.memory_space<hbm>>)
    %dma_wait3A_69 = arith.constant 0 : i32
    %dma_wait3A_70 = tpu.memref_slice %arg4[%add3A_38, %dma_wait3A_69] : memref<4096x128xf32, #tpu.memory_space<hbm>> -> memref<64x128xf32, #tpu.memory_space<hbm>>
    %dma_wait3A_71 = arith.constant 0 : i32
    %dma_wait3A_72 = tpu.memref_slice %arg4[%add3A_38, %dma_wait3A_71] : memref<4096x128xf32, #tpu.memory_space<hbm>> -> memref<64x128xf32, #tpu.memory_space<hbm>>
    tpu.wait_dma2 semaphore(%arg14 : memref<!tpu.dma_semaphore, #tpu.memory_space<semaphore_mem>>) src(%arg7 : memref<64x128xf32, #tpu.memory_space<vmem>>) dst(%dma_wait3A_72 : memref<64x128xf32, #tpu.memory_space<hbm>>)
    %dma_wait3A_73 = arith.constant 0 : i32
    %dma_wait3A_74 = tpu.memref_slice %arg4[%add3A_49, %dma_wait3A_73] : memref<4096x128xf32, #tpu.memory_space<hbm>> -> memref<64x128xf32, #tpu.memory_space<hbm>>
    %dma_wait3A_75 = arith.constant 0 : i32
    %dma_wait3A_76 = tpu.memref_slice %arg4[%add3A_49, %dma_wait3A_75] : memref<4096x128xf32, #tpu.memory_space<hbm>> -> memref<64x128xf32, #tpu.memory_space<hbm>>
    tpu.wait_dma2 semaphore(%arg14 : memref<!tpu.dma_semaphore, #tpu.memory_space<semaphore_mem>>) src(%arg8 : memref<64x128xf32, #tpu.memory_space<vmem>>) dst(%dma_wait3A_76 : memref<64x128xf32, #tpu.memory_space<hbm>>)
    %dma_wait3A_77 = arith.constant 0 : i32
    %dma_wait3A_78 = tpu.memref_slice %arg4[%add3A_60, %dma_wait3A_77] : memref<4096x128xf32, #tpu.memory_space<hbm>> -> memref<64x128xf32, #tpu.memory_space<hbm>>
    %dma_wait3A_79 = arith.constant 0 : i32
    %dma_wait3A_80 = tpu.memref_slice %arg4[%add3A_60, %dma_wait3A_79] : memref<4096x128xf32, #tpu.memory_space<hbm>> -> memref<64x128xf32, #tpu.memory_space<hbm>>
    tpu.wait_dma2 semaphore(%arg14 : memref<!tpu.dma_semaphore, #tpu.memory_space<semaphore_mem>>) src(%arg9 : memref<64x128xf32, #tpu.memory_space<vmem>>) dst(%dma_wait3A_80 : memref<64x128xf32, #tpu.memory_space<hbm>>)
    return
  }
}

module attributes {stable_mosaic.version = 14 : i64} {
  func.func @_proj_argmax_body(%arg0: memref<2048x768xf32, #tpu.memory_space<vmem>>, %arg1: memref<768x640xf32, #tpu.memory_space<vmem>>, %arg2: memref<640xf32, #tpu.memory_space<vmem>>, %arg3: memref<2048x2xi32, #tpu.memory_space<vmem>>, %arg4: memref<1x1xf32, #tpu.memory_space<vmem>>) attributes {dimension_semantics = [], scalar_prefetch = 0 : i64, scratch_operands = 0 : i64, tpu.core_type = #tpu.core_type<tc>} {
    %get3A = arith.constant 0 : index
    %get3A_0 = arith.constant 0 : index
    %get3A_1 = vector.load %arg0[%get3A, %get3A_0] : memref<2048x768xf32, #tpu.memory_space<vmem>>, vector<2048x768xf32>
    %get3A_2 = arith.constant 0 : index
    %get3A_3 = arith.constant 0 : index
    %get3A_4 = vector.load %arg1[%get3A_2, %get3A_3] : memref<768x640xf32, #tpu.memory_space<vmem>>, vector<768x640xf32>
    %dot_general3A = arith.constant dense<0.000000e+00> : vector<2048x640xf32>
    %dot_general3A_5 = tpu.matmul %get3A_1, %get3A_4, %dot_general3A {dimension_numbers = #tpu.dot_dimension_numbers<[1], [0], [0], [1], [0, 0, 1, 1], [], []>, transpose_lhs_hint = false} : vector<2048x768xf32>, vector<768x640xf32>, vector<2048x640xf32> -> vector<2048x640xf32>
    %get3A_6 = arith.constant 0 : index
    %get3A_7 = vector.load %arg2[%get3A_6] : memref<640xf32, #tpu.memory_space<vmem>>, vector<640xf32>
    %reshape3A = vector.shape_cast %get3A_7 : vector<640xf32> to vector<1x640xf32>
    %add3A = vector.broadcast %reshape3A : vector<1x640xf32> to vector<2048x640xf32>
    %add3A_8 = arith.addf %dot_general3A_5, %add3A : vector<2048x640xf32>
    %iota3A = tpu.iota {dimensions = array<i32: 1>} : vector<2048x320xi32>
    %slice3A = vector.extract_strided_slice %add3A_8 {offsets = [0, 0], sizes = [2048, 320], strides = [1, 1]} : vector<2048x640xf32> to vector<2048x320xf32>
    %reduce_max3A = arith.constant dense<0xFF800000> : vector<2048xf32>
    %reduce_max3A_9 = vector.multi_reduction <maximumf>, %slice3A, %reduce_max3A [1] : vector<2048x320xf32> to vector<2048xf32>
    %broadcast_in_dim3A = vector.shape_cast %reduce_max3A_9 : vector<2048xf32> to vector<2048x1xf32>
    %eq3A = vector.broadcast %broadcast_in_dim3A : vector<2048x1xf32> to vector<2048x320xf32>
    %eq3A_10 = arith.cmpf oeq, %slice3A, %eq3A : vector<2048x320xf32>
    %jit3A = arith.constant 320 : i32
    %broadcast_in_dim3A_11 = vector.broadcast %jit3A : i32 to vector<2048x320xi32>
    %select_n3A = arith.select %eq3A_10, %iota3A, %broadcast_in_dim3A_11 : vector<2048x320xi1>, vector<2048x320xi32>
    %reduce_min3A = arith.constant dense<2147483647> : vector<2048xi32>
    %reduce_min3A_12 = vector.multi_reduction <minsi>, %select_n3A, %reduce_min3A [1] : vector<2048x320xi32> to vector<2048xi32>
    %broadcast_in_dim3A_13 = vector.shape_cast %reduce_min3A_12 : vector<2048xi32> to vector<2048x1xi32>
    %eq3A_14 = vector.broadcast %broadcast_in_dim3A_13 : vector<2048x1xi32> to vector<2048x320xi32>
    %eq3A_15 = arith.cmpi eq, %iota3A, %eq3A_14 : vector<2048x320xi32>
    %convert_element_type3A = arith.extui %eq3A_15 : vector<2048x320xi1> to vector<2048x320xi32>
    %convert_element_type3A_16 = arith.sitofp %convert_element_type3A : vector<2048x320xi32> to vector<2048x320xf32>
    %reduce_sum3A = arith.constant dense<0.000000e+00> : vector<320xf32>
    %reduce_sum3A_17 = vector.multi_reduction <add>, %convert_element_type3A_16, %reduce_sum3A [0] : vector<2048x320xf32> to vector<320xf32>
    %broadcast_in_dim3A_18 = vector.shape_cast %reduce_sum3A_17 : vector<320xf32> to vector<1x320xf32>
    %mul3A = arith.constant 4.8828125E-4 : f32
    %mul3A_19 = vector.broadcast %mul3A : f32 to vector<1x320xf32>
    %mul3A_20 = arith.mulf %broadcast_in_dim3A_18, %mul3A_19 : vector<1x320xf32>
    %add3A_21 = arith.constant 1.000000e-07 : f32
    %add3A_22 = vector.broadcast %add3A_21 : f32 to vector<1x320xf32>
    %add3A_23 = arith.addf %mul3A_20, %add3A_22 : vector<1x320xf32>
    %log3A = math.log %add3A_23 : vector<1x320xf32>
    %mul3A_24 = arith.mulf %mul3A_20, %log3A : vector<1x320xf32>
    %reduce_sum3A_25 = vector.shape_cast %mul3A_24 : vector<1x320xf32> to vector<1x1x320xf32>
    %reduce_sum3A_26 = arith.constant dense<0.000000e+00> : vector<1xf32>
    %reduce_sum3A_27 = vector.multi_reduction <add>, %reduce_sum3A_25, %reduce_sum3A_26 [1, 2] : vector<1x1x320xf32> to vector<1xf32>
    %reduce_sum3A_28 = vector.shape_cast %reduce_sum3A_27 : vector<1xf32> to vector<1x1x1xf32>
    %reduce_sum3A_29 = vector.extract %reduce_sum3A_28[0, 0, 0] : f32 from vector<1x1x1xf32>
    %add3A_30 = arith.constant 0 : i32
    %add3A_31 = vector.broadcast %add3A_30 : i32 to vector<2048x1xi32>
    %add3A_32 = arith.addi %broadcast_in_dim3A_13, %add3A_31 : vector<2048x1xi32>
    %slice3A_33 = vector.extract_strided_slice %add3A_8 {offsets = [0, 320], sizes = [2048, 320], strides = [1, 1]} : vector<2048x640xf32> to vector<2048x320xf32>
    %reduce_max3A_34 = arith.constant dense<0xFF800000> : vector<2048xf32>
    %reduce_max3A_35 = vector.multi_reduction <maximumf>, %slice3A_33, %reduce_max3A_34 [1] : vector<2048x320xf32> to vector<2048xf32>
    %broadcast_in_dim3A_36 = vector.shape_cast %reduce_max3A_35 : vector<2048xf32> to vector<2048x1xf32>
    %eq3A_37 = vector.broadcast %broadcast_in_dim3A_36 : vector<2048x1xf32> to vector<2048x320xf32>
    %eq3A_38 = arith.cmpf oeq, %slice3A_33, %eq3A_37 : vector<2048x320xf32>
    %jit3A_39 = arith.constant 320 : i32
    %broadcast_in_dim3A_40 = vector.broadcast %jit3A_39 : i32 to vector<2048x320xi32>
    %select_n3A_41 = arith.select %eq3A_38, %iota3A, %broadcast_in_dim3A_40 : vector<2048x320xi1>, vector<2048x320xi32>
    %reduce_min3A_42 = arith.constant dense<2147483647> : vector<2048xi32>
    %reduce_min3A_43 = vector.multi_reduction <minsi>, %select_n3A_41, %reduce_min3A_42 [1] : vector<2048x320xi32> to vector<2048xi32>
    %broadcast_in_dim3A_44 = vector.shape_cast %reduce_min3A_43 : vector<2048xi32> to vector<2048x1xi32>
    %eq3A_45 = vector.broadcast %broadcast_in_dim3A_44 : vector<2048x1xi32> to vector<2048x320xi32>
    %eq3A_46 = arith.cmpi eq, %iota3A, %eq3A_45 : vector<2048x320xi32>
    %convert_element_type3A_47 = arith.extui %eq3A_46 : vector<2048x320xi1> to vector<2048x320xi32>
    %convert_element_type3A_48 = arith.sitofp %convert_element_type3A_47 : vector<2048x320xi32> to vector<2048x320xf32>
    %reduce_sum3A_49 = arith.constant dense<0.000000e+00> : vector<320xf32>
    %reduce_sum3A_50 = vector.multi_reduction <add>, %convert_element_type3A_48, %reduce_sum3A_49 [0] : vector<2048x320xf32> to vector<320xf32>
    %broadcast_in_dim3A_51 = vector.shape_cast %reduce_sum3A_50 : vector<320xf32> to vector<1x320xf32>
    %mul3A_52 = arith.constant 4.8828125E-4 : f32
    %mul3A_53 = vector.broadcast %mul3A_52 : f32 to vector<1x320xf32>
    %mul3A_54 = arith.mulf %broadcast_in_dim3A_51, %mul3A_53 : vector<1x320xf32>
    %add3A_55 = arith.constant 1.000000e-07 : f32
    %add3A_56 = vector.broadcast %add3A_55 : f32 to vector<1x320xf32>
    %add3A_57 = arith.addf %mul3A_54, %add3A_56 : vector<1x320xf32>
    %log3A_58 = math.log %add3A_57 : vector<1x320xf32>
    %mul3A_59 = arith.mulf %mul3A_54, %log3A_58 : vector<1x320xf32>
    %reduce_sum3A_60 = vector.shape_cast %mul3A_59 : vector<1x320xf32> to vector<1x1x320xf32>
    %reduce_sum3A_61 = arith.constant dense<0.000000e+00> : vector<1xf32>
    %reduce_sum3A_62 = vector.multi_reduction <add>, %reduce_sum3A_60, %reduce_sum3A_61 [1, 2] : vector<1x1x320xf32> to vector<1xf32>
    %reduce_sum3A_63 = vector.shape_cast %reduce_sum3A_62 : vector<1xf32> to vector<1x1x1xf32>
    %reduce_sum3A_64 = vector.extract %reduce_sum3A_63[0, 0, 0] : f32 from vector<1x1x1xf32>
    %add3A_65 = arith.constant 320 : i32
    %add3A_66 = vector.broadcast %add3A_65 : i32 to vector<2048x1xi32>
    %add3A_67 = arith.addi %broadcast_in_dim3A_44, %add3A_66 : vector<2048x1xi32>
    %concatenate3A = tpu.concatenate %add3A_32, %add3A_67 in 1 : vector<2048x1xi32>, vector<2048x1xi32> -> vector<2048x2xi32>
    %swap3A = arith.constant 0 : index
    %swap3A_68 = arith.constant 0 : index
    %swap3A_69 = vector.load %arg3[%swap3A, %swap3A_68] : memref<2048x2xi32, #tpu.memory_space<vmem>>, vector<2048x2xi32>
    tpu.vector_store %arg3[%swap3A, %swap3A_68], %concatenate3A {strides = array<i32>} : memref<2048x2xi32, #tpu.memory_space<vmem>>, vector<2048x2xi32>,
    %neg3A = arith.constant 0.000000e+00 : f32
    %neg3A_70 = arith.subf %neg3A, %reduce_sum3A_29 : f32
    %exp3A = math.exp %neg3A_70 : f32
    %neg3A_71 = arith.constant 0.000000e+00 : f32
    %neg3A_72 = arith.subf %neg3A_71, %reduce_sum3A_64 : f32
    %exp3A_73 = math.exp %neg3A_72 : f32
    %add3A_74 = arith.addf %exp3A, %exp3A_73 : f32
    %reshape3A_75 = vector.broadcast %add3A_74 : f32 to vector<1x1xf32>
    %swap3A_76 = arith.constant 0 : index
    %swap3A_77 = arith.constant 0 : index
    %swap3A_78 = vector.load %arg4[%swap3A_76, %swap3A_77] : memref<1x1xf32, #tpu.memory_space<vmem>>, vector<1x1xf32>
    tpu.vector_store %arg4[%swap3A_76, %swap3A_77], %reshape3A_75 {strides = array<i32>} : memref<1x1xf32, #tpu.memory_space<vmem>>, vector<1x1xf32>,
    return
  }
}

</mosaic_0001>

<sc_bundles>
// kernel: kernel.4.cloned.1.call-start
scs
__scs_entry_jumppad:
0x0: {  	(pc) =	sbr.rel $0x88, $3  }
0x1: {  	(tag) =	ssettag $0x0;
	lr =	simm.s32 $0x1  }
0x2: {  	[smem:$0x3F9D] =	sst lr;
	_ =	strace $0xD0000000  }
0x3: {  	_ = 	snop  }
0x4: {  	_ = 	snop  }
0x5: {  	_ = 	snop  }
0x6: {  	_ = 	snop  }
0x7: {  	_ = 	snop  }
__scs_overlays_trampoline_lowered:
0x8: {  	[smem:$0x3FAC] =	sst s0  }
0x9: {  	[smem:$0x3FAD] =	sst s1  }
0xa: {  	[smem:$0x3FAE] =	sst s2  }
0xb: {  	[smem:$0x3FAF] =	sst s3  }
0xc: {  	[smem:$0x3FB0] =	sst s4  }
0xd: {  	[smem:$0x3FB1] =	sst s5  }
0xe: {  	[smem:$0x3FB2] =	sst s6  }
0xf: {  	[smem:$0x3FB3] =	sst s7  }
0x10: {  	[smem:$0x3FB4] =	sst s8  }
0x11: {  	[smem:$0x3FB5] =	sst s9;
	s0 =	simm.s32 @!p0 $0x0  }
0x12: {  	s1 =	sld [smem:$0x3F9B];
	s0 =	simm.s32 @p0 $0x1  }
0x13: {  	[smem:$0x3FB6] =	sst s0;
	s0 =	simm.s32 @!p1 $0x0  }
0x14: {  	s2 =	sld [smem:$0x3F9A];
	s0 =	simm.s32 @p1 $0x1  }
0x15: {  	[smem:$0x3FB7] =	sst s0;
	s0 =	simm.s32 @!p2 $0x0  }
0x16: {  	s3 =	sld [smem:$0x3FDB];
	s0 =	simm.s32 @p2 $0x1  }
0x17: {  	s4 =	simm.s32 $0x1BF5;
	[smem:$0x3FB9] =	sst s0  }
0x18: {  	s0 =	sld [smem:$0x3F9C];
	_ =	swait.ge [sflag:s4], $0x0  }
0x19: {  	s7 =	sld [smem:$0x3F9D]  }
0x1a: {  	s8 =	sadd.s32 $0xFFFFE003, lr  }
0x1b: {  	s9 =	sadd.s32 $0xFFFFFEF7, lr;
	s5 =	simm.s32 $0xFFFFFFFF;
	p2 =	slt.u32 s8, $0xFFFFF086  }
0x1c: {  	p1 =	slt.u32 s9, $0xF7A;
	s5 =	simm.s32 @!p2 $0x0  }
0x1d: {  	s5 =	simm.s32 @p1 $0x1;
	p0 =	seq.s32 s7, s2  }
0x1e: {  	s7 =	smul.u32 @!p0 $0xF7A, s2;
	p2 =	seq.s32 @!p0 s5, $0x0  }
0x1f: {  	s9 =	smul.u32 $0xF7A, s1;
	s8 =	simm.s32 @!p0 $0x1BF5;
	p2 =	por !p2, p0  }
0x20: {  	[sflag:s8] =	ssyncset.s32 @!p0 $0xFFFFF086;
	s6 =	sadd.s32 @!p0 s3, s7;
	s7 =	simm.s32 @!p0 $0x108  }
0x21: {  	s3 =	sadd.s32 s3, s9;
	s6 =	sadd.s32 @!p0 $0x88, s6;
	s7 =	simm.s32 @p2 $0x1082  }
0x22: {  	[simem:s7], [sflag:s8] =	dma.local @!p0 [hbm:s6], $0xF7A  }
0x23: {  	s9 =	sor.u32 $0xD0000000, s2;
	s6 =	simm.s32 $0x108;
	_ =	swait.ge @!p0 [sflag:s8], $0x0  }
0x24: {  	s3 =	sadd.s32 $0x88, s3;
	s6 =	simm.s32 @!p1 $0x1082;
	[sflag:s4] =	ssyncset.s32 $0xFFFFF086  }
0x25: {  	[simem:s6], [sflag:s4] =	dma.local [hbm:s3], $0xF7A  }
0x26: {  	[smem:$0x3F9D] =	sst s1;
	(tag) =	ssettag s2;
	_ =	strace s9  }
0x27: {  	s1 =	sld [smem:$0x3FAD]  }
0x28: {  	s2 =	sld [smem:$0x3FAE]  }
0x29: {  	s4 =	sld [smem:$0x3FB0]  }
0x2a: {  	p0 =	seq.s32 s5, $0x0;
	s5 =	sld [smem:$0x3FB1]  }
0x2b: {  	s6 =	sld [smem:$0x3FB2]  }
0x2c: {  	s7 =	sld [smem:$0x3FB3]  }
0x2d: {  	s3 =	simm.s32 $0x108;
	s8 =	sld [smem:$0x3FB4]  }
0x2e: {  	s3 =	simm.s32 @!p0 $0x1082;
	s9 =	sld [smem:$0x3FB5]  }
0x2f: {  	lr =	sadd.s32 s0, s3;
	s0 =	sld [smem:$0x3FAC]  }
0x30: {  	s3 =	sld [smem:$0x3FAF]  }
0x31: {  	[smem:$0x3FB8] =	sst s10  }
0x32: {  	s10 =	sld [smem:$0x3FB6];
	_ =	sdelay $0x3  }
0x33: {  	p0 =	seq.s32 s10, $0x1;
	s10 =	sld [smem:$0x3FB8];
	_ =	sdelay $0x3  }
0x34: {  	[smem:$0x3FB8] =	sst s10  }
0x35: {  	s10 =	sld [smem:$0x3FB7];
	_ =	sdelay $0x3  }
0x36: {  	p1 =	seq.s32 s10, $0x1;
	s10 =	sld [smem:$0x3FB8];
	_ =	sdelay $0x3  }
0x37: {  	[smem:$0x3FB8] =	sst s10  }
0x38: {  	s10 =	sld [smem:$0x3FB9]  }
0x39: {  	_ = 	snop;
	(pc) =	sbr.ind lr, $3  }
0x3a: {  	_ = 	snop  }
0x3b: {  	_ = 	snop  }
0x3c: {  	p2 =	seq.s32 s10, $0x1;
	s10 =	sld [smem:$0x3FB8]  }
0x3d: {  	_ =	shalt  }
0x3e: {  	_ =	shalt  }
0x3f: {  	_ =	shalt  }
0x40: {  	_ =	shalt  }
0x41: {  	_ =	shalt  }
0x42: {  	_ =	shalt  }
0x43: {  	_ =	shalt  }
0x44: {  	_ =	shalt  }
0x45: {  	_ =	shalt  }
0x46: {  	_ =	shalt  }
0x47: {  	_ =	shalt  }
0x48: {  	_ =	shalt  }
0x49: {  	_ =	shalt  }
0x4a: {  	_ =	shalt  }
0x4b: {  	_ =	shalt  }
0x4c: {  	_ =	shalt  }
0x4d: {  	_ =	shalt  }
0x4e: {  	_ =	shalt  }
0x4f: {  	_ =	shalt  }
0x50: {  	_ =	shalt  }
0x51: {  	_ =	shalt  }
0x52: {  	_ =	shalt  }
0x53: {  	_ =	shalt  }
0x54: {  	_ =	shalt  }
0x55: {  	_ =	shalt  }
0x56: {  	_ =	shalt  }
0x57: {  	_ =	shalt  }
0x58: {  	_ =	shalt  }
0x59: {  	_ =	shalt  }
0x5a: {  	_ =	shalt  }
0x5b: {  	_ =	shalt  }
0x5c: {  	_ =	shalt  }
0x5d: {  	_ =	shalt  }
0x5e: {  	_ =	shalt  }
0x5f: {  	_ =	shalt  }
0x60: {  	_ =	shalt  }
0x61: {  	_ =	shalt  }
0x62: {  	_ =	shalt  }
0x63: {  	_ =	shalt  }
0x64: {  	_ =	shalt  }
0x65: {  	_ =	shalt  }
0x66: {  	_ =	shalt  }
0x67: {  	_ =	shalt  }
0x68: {  	_ =	shalt  }
0x69: {  	_ =	shalt  }
0x6a: {  	_ =	shalt  }
0x6b: {  	_ =	shalt  }
0x6c: {  	_ =	shalt  }
0x6d: {  	_ =	shalt  }
0x6e: {  	_ =	shalt  }
0x6f: {  	_ =	shalt  }
0x70: {  	_ =	shalt  }
0x71: {  	_ =	shalt  }
0x72: {  	_ =	shalt  }
0x73: {  	_ =	shalt  }
0x74: {  	_ =	shalt  }
0x75: {  	_ =	shalt  }
0x76: {  	_ =	shalt  }
0x77: {  	_ =	shalt  }
0x78: {  	_ =	shalt  }
0x79: {  	_ =	shalt  }
0x7a: {  	_ =	shalt  }
0x7b: {  	_ =	shalt  }
0x7c: {  	_ =	shalt  }
0x7d: {  	_ =	shalt  }
0x7e: {  	_ =	shalt  }
0x7f: {  	_ =	shalt  }
0x80: {  	_ =	shalt  }
0x81: {  	_ =	shalt  }
0x82: {  	_ =	shalt  }
0x83: {  	_ =	shalt  }
0x84: {  	_ =	shalt  }
0x85: {  	_ =	shalt  }
0x86: {  	_ =	shalt  }
0x87: {  	_ =	shalt  }
.Lfunc_end0:
.L_simem_size_0:
called_computation_lowered:
.L_overlay_start_0:
0x88: {  	s0 =	sld [smem:$0x3FD9]  }
0x89: {  	s1 =	sld [smem:$0x3FFE];
	_ =	sdelay $0x3  }
0x8a: {  	s0 =	sadd.s32 s1, s0  }
0x8b: {  	[smem:$0x3FC4] =	sst s0  }
0x8c: {  	_ = 	snop  }
0x8d: {  	s0 =	sld [smem:$0x3FD0];
	_ =	sdelay $0x2  }
0x8e: {  	s2 =	simm.s32 $0xA;
	s3 =	simm.s32 $0x10;
	s13 =	sld [smem:$0x3FC6]  }
0x8f: {  	[smem:s3], [sflag:s2] =	dma.local [hbm:s0], $0x1  }
0x90: {  	_ =	swait.eq [sflag:s2], $0x1  }
0x91: {  	[sflag:s2] =	ssyncset.done $0x0  }
0x92: {  	[sflag:s2] =	ssyncadd.s32 $0xFFFFFFFF  }
0x93: {  	s14 =	sld [smem:$0x10];
	(tm) =	ssettm $0x1  }
0x94: {  	s15 =	sld [smem:$0x3FFB];
	_ =	sdelay $0x3  }
0x95: {  	_ =	strace s15  }
0x96: {  	s2 =	sld [smem:$0x3FFC];
	_ =	sdelay $0x3  }
0x97: {  	_ =	strace s2  }
0x98: {  	s2 =	sld [smem:$0x3FFD];
	_ =	sdelay $0x3  }
0x99: {  	_ =	strace s2  }
0x9a: {  	_ =	strace $0x8FFFFFFF  }
0x9b: {  	s16 =	sld [smem:$0x3FDB];
	_ =	sdelay $0x1  }
0x9c: {  	s17 =	simm.s32 $_scs_section_size  }
0x9d: {  	s4 =	simm.s32 $_size__tile_overlayer_lowered;
	s5 =	simm.s32 $_tile_overlayer_lowered  }
0x9e: {  	s20 =	simm.s32 $0x1BFF;
	s19 =	sshll.u32 s5, $0x1;
	s2 =	sadd.s32 s17, s16  }
0x9f: {  	s6 =	simm.s32 $0x0;
	s18 =	sshll.u32 s4, $0x1;
	s4 =	sadd.s32 s19, s2  }
0xa0: {  	[timem:s6], [sflag:s20] =	dma.local [hbm:s4], s18  }
0xa1: {  	_ =	swait.ge [sflag:s20], s18  }
0xa2: {  	s3 =	ssub.s32 $0x0, s18;
	[sflag:s20] =	ssyncset.done $0x0  }
0xa3: {  	[sflag:s20] =	ssyncadd.s32 s3;
	_ =	sdelay $0x1  }
0xa4: {  	s21 =	simm.s32 $0x1B8B  }
0xa5: {  	_ =	swait.ge [sflag:s21], $0x1  }
0xa6: {  	[sflag:s21] =	ssyncset.done $0x0  }
0xa7: {  	s23 =	simm.s32 $0x1B8E;
	s22 =	sld [smem:$0x3FFE];
	[sflag:s21] =	ssyncadd.s32 $0xFFFFFFFF  }
0xa8: {  	s24 =	simm.s32 $execute0_lowered;
	[smem:$0x3FD2] =	sst s23  }
0xa9: {  	s4 =	sshll.u32 s24, $0x1;
	_ =	strace $0x80000046;
	[dreg:$0x1] =	wrdreg $0xFFFFFFFF  }
0xaa: {  	s25 =	simm.s32 $_size_execute0_lowered;
	s2 =	sadd.s32 s2, s4;
	[dreg:$0x0] =	wrdreg $0x0  }
0xab: {  	s4 =	sshll.u32 s25, $0x1;
	[dreg:$0x2] =	wrdreg s2  }
0xac: {  	[dreg:$0x3] =	wrdreg s4  }
0xad: {  	[dreg:$0x4] =	wrdreg $0xC0  }
0xae: {  	_ =	task [dreg:s6], $0x5FFFF  }
0xaf: {  	[dreg:$0x1] =	wrdreg $0xFFFFFFFF  }
0xb0: {  	[dreg:$0x0] =	wrdreg $0x60  }
0xb1: {  	[dreg:$0x2] =	wrdreg s14  }
0xb2: {  	[dreg:$0x3] =	wrdreg s13  }
0xb3: {  	[dreg:$0x4] =	wrdreg s22  }
0xb4: {  	[dreg:$0x5] =	wrdreg $0x9  }
0xb5: {  	_ =	task.clear_ibuf [dreg:s6], $0x6FFFF;
	_ =	strace $0x90000046  }
0xb6: {  	s26 =	simm.s32 $0x9;
	_ =	strace $0x80000048  }
0xb7: {  	_ =	swait.ge [sflag:s26], $0x1  }
0xb8: {  	[sflag:s26] =	ssyncadd.s32 $0xFFFFFFFF  }
0xb9: {  	_ =	strace $0x90000048  }
0xba: {  	_ =	sfence  }
0xbb: {  	s28 =	sld [smem:$0x0];
	_ =	sdelay $0x1  }
0xbc: {  	s29 =	srdreg.scid  }
0xbd: {  	s30 =	sshll.u32 s29, $0xD;
	s31 =	sshrl.u32 s29, $0x2  }
0xbe: {  	s1 =	sand.u32 $0x1, s29;
	s2 =	sand.u32 $0x4000, s30;
	s0 =	sadd.s32 s31, s28  }
0xbf: {  	s1 =	sor.u32 s2, s1;
	s0 =	sshll.u32 s0, $0x11  }
0xc0: {  	s0 =	sor.u32 s0, s1  }
0xc1: {  	s0 =	sadd.s32 $0x8F2B, s0  }
0xc2: {  	[sflag:s0] =	ssyncadd.remote.s32 $0x1  }
0xc3: {  	_ =	sfence.sel $0xFFFF  }
0xc4: {  	[dreg:$0x0] =	wrdreg $0xFFFFFFFF;
	(pc) =	sbr.abs _section_cstart, $3  }
0xc5: {  	[dreg:$0x1] =	wrdreg $0xFFFFFFFF  }
0xc6: {  	_ =	task.clear_ibuf [dreg:s6], $0x2FFFF;
	_ =	strace $0x9FFFFFFF  }
0xc7: {  	(tm) =	ssettm $0x7FFFFFFF  }
tec
execute0_lowered:
.L_overlay_start_1:
0x0: {  	(tag) =	ssettag $0x1  }
0x1: {  	s2 =	rddreg [dreg:$0x0]  }
0x2: {  	s3 =	rddreg [dreg:$0x1]  }
0x3: {  	s4 =	rddreg [dreg:$0x2]  }
0x4: {  	s0 =	rddreg [dreg:$0x3];
	s5 =	simm.s32 $0x0;
	s1 =	stileid.u32  }
0x5: {  	[smem:$0x7FF] =	sst s5;
	s6 =	sshll.u32 s1, $0x5  }
0x6: {  	s19 =	simm.s32 $0x6;
	_ =	strace $0x80000047;
	s2 =	sadd.s32 s2, s6  }
0x7: {  	[tilespmem:s5], [sflag:$0x6] =	stream.linear.gather [hbm4b:s2+s5], $0x100, $0x38;
	[tilespmem:$0x8100] =	vst v63  }
0x8: {  	_ =	swait.ge [sflag:s19], $0x100  }
0x9: {  	[sflag:s19] =	ssyncset.done $0x0  }
0xa: {  	s20 =	simm.s32 $0x40;
	s21 =	simm.s32 $0x100;
	[sflag:s19] =	ssyncadd.s32 $0xFFFFFF00  }
0xb: {  	[tilespmem:s21], [sflag:$0x1] =	stream.indirect.gather [hbm4b:s3+s20], $0x80, s5, s20, $0xb8;
	[tilespmem:$0x8100] =	vst v63  }
0xc: {  	s7 =	simm.s32 $0x2100  }
0xd: {  	[tilespmem:s7], [sflag:$0x2] =	stream.indirect.gather [hbm4b:s3+s20], $0x80, s20, s20, $0xb8;
	[tilespmem:$0x8100] =	vst v63  }
0xe: {  	s8 =	simm.s32 $0x80;
	s9 =	simm.s32 $0x4100  }
0xf: {  	[tilespmem:s9], [sflag:$0x3] =	stream.indirect.gather [hbm4b:s3+s20], $0x80, s8, s20, $0xb8;
	[tilespmem:$0x8100] =	vst v63  }
0x10: {  	s22 =	simm.s32 $0xC0;
	s10 =	simm.s32 $0x6100;
	s23 =	simm.s32 $0x1  }
0x11: {  	[tilespmem:s10], [sflag:$0x4] =	stream.indirect.gather [hbm4b:s3+s20], $0x80, s22, s20, $0xb8;
	[tilespmem:$0x8100] =	vst v63  }
0x12: {  	s24 =	sshll.u32 s1, $0xC;
	_ =	swait.ge [sflag:s23], $0x2000  }
0x13: {  	s3 =	sadd.s32 s24, s4;
	[sflag:s23] =	ssyncset.done $0x0  }
0x14: {  	s25 =	simm.s32 $0x2;
	s4 =	sadd.s32 $0xC00, s3;
	[sflag:s23] =	ssyncadd.s32 $0xFFFFE000  }
0x15: {  	[hbm4b:s4+s5] =	stream.linear.scatter [tilespmem:s21], [sflag:$0x5], $0x2000, $0x38;
	[tilespmem:$0x8100] =	vst v63  }
0x16: {  	_ =	swait.ge [sflag:s25], $0x2000  }
0x17: {  	[sflag:s25] =	ssyncset.done $0x0  }
0x18: {  	s28 =	simm.s32 $0x3;
	s26 =	sadd.s32 $0x1000, s3;
	[sflag:s25] =	ssyncadd.s32 $0xFFFFE000  }
0x19: {  	[hbm4b:s26+s5] =	stream.linear.scatter [tilespmem:s7], [sflag:$0x5], $0x2000, $0x38;
	[tilespmem:$0x8100] =	vst v63  }
0x1a: {  	_ =	swait.ge [sflag:s28], $0x2000  }
0x1b: {  	[sflag:s28] =	ssyncset.done $0x0  }
0x1c: {  	s30 =	simm.s32 $0x4;
	s29 =	sadd.s32 $0x1400, s3;
	[sflag:s28] =	ssyncadd.s32 $0xFFFFE000  }
0x1d: {  	[hbm4b:s29+s5] =	stream.linear.scatter [tilespmem:s9], [sflag:$0x5], $0x2000, $0x38;
	[tilespmem:$0x8100] =	vst v63  }
0x1e: {  	_ =	swait.ge [sflag:s30], $0x2000  }
0x1f: {  	[sflag:s30] =	ssyncset.done $0x0  }
0x20: {  	s31 =	simm.s32 $0x5;
	s3 =	sadd.s32 $0x1800, s3;
	[sflag:s30] =	ssyncadd.s32 $0xFFFFE000  }
0x21: {  	[hbm4b:s3+s5] =	stream.linear.scatter [tilespmem:s10], [sflag:$0x5], $0x2000, $0x38;
	[tilespmem:$0x8100] =	vst v63  }
0x22: {  	_ =	swait.ge [sflag:s31], $0x2000  }
0x23: {  	[sflag:s31] =	ssyncset.done $0x0  }
0x24: {  	[sflag:s31] =	ssyncadd.s32 $0xFFFFE000  }
0x25: {  	_ =	swait.ge [sflag:s31], $0x2000  }
0x26: {  	[sflag:s31] =	ssyncset.done $0x0  }
0x27: {  	[sflag:s31] =	ssyncadd.s32 $0xFFFFE000  }
0x28: {  	_ =	swait.ge [sflag:s31], $0x2000  }
0x29: {  	[sflag:s31] =	ssyncset.done $0x0  }
0x2a: {  	[sflag:s31] =	ssyncadd.s32 $0xFFFFE000  }
0x2b: {  	_ =	swait.ge [sflag:s31], $0x2000  }
0x2c: {  	[sflag:s31] =	ssyncset.done $0x0  }
0x2d: {  	[sflag:s31] =	ssyncadd.s32 $0xFFFFE000  }
0x2e: {  	_ =	sfence.sel $0x180000  }
0x2f: {  	[bflag:$0x0] =	sbarrier.arrive $0xFFFF  }
0x30: {  	p0 =	sne.s32 s1, $0x0;
	_ =	strace $0x90000047  }
0x31: {  	s0 =	sadd.s32 @!p0 $0x100000, s0;
	[bflag:$0x2] =	sbarrier.arrive $0xFFFF  }
0x32: {  	[sflag:s0] =	ssyncadd.tile.s32 @!p0 $0x1;
	_ =	shalt  }
.Lfunc_end2:
_tile_overlayer_lowered:
.L_overlay_start_2:
0x33: {  	(tag) =	ssettag $0x2  }
0x34: {  	s0 =	rddreg [dreg:$0x0];
	s2 =	stileid.u32  }
0x35: {  	s1 =	rddreg [dreg:$0x1];
	p0 =	sne.s32 s2, $0x0  }
0x36: {  	s3 =	rddreg [dreg:$0x2];
	[bflag:$0x3] =	sbarrier.arrive $0xFFFF;
	s2 =	simm.s32 @!p0 $0x1C06  }
0x37: {  	[timem:s3], [sflag:s2] =	dma.local @!p0 [hbm:s0], s1  }
0x38: {  	s0 =	simm.s32 @!p0 $0x6  }
0x39: {  	_ =	swait.ge @!p0 [sflag:s0], s1  }
0x3a: {  	s1 =	ssub.s32 @!p0 $0x0, s1;
	[sflag:s0] =	ssyncset.done @!p0 $0x0  }
0x3b: {  	[sflag:s0] =	ssyncadd.s32 @!p0 s1  }
0x3c: {  	[bflag:$0x3] =	sbarrier.arrive $0xFFFF  }
0x3d: {  	_ =	shalt  }

</sc_bundles>
